<compile_context>
chip_gen: v7x
topology: tpu7x:2x2x1
jax: 0.10.2.dev20260603
libtpu: 0.0.44.dev20260713+nightly
codegen_flags: <defaults>
</compile_context>

<pallas_src>
import functools

import jax
import jax.numpy as jnp
from jax import lax
from jax.experimental import pallas as pl
from jax.experimental.pallas import tpu as pltpu
from jax.experimental.pallas import tpu_sc as plsc
import numpy as np

N = 50000
E = 1600000
D = 256
DECAY = float(np.exp(-2.0))

_NB = 2048
_NBLK = 25
_NPAD = _NB * _NBLK



_MROWS = 4096
_MBLK = 13
_EB = 124928


def _mlp_body(x_ref, w0_ref, w1_ref, w2_ref, w3_ref, ei_ref,
              o_ref, row_ref, col_ref):
    h = jnp.maximum(
        jnp.dot(x_ref[...], w0_ref[...], preferred_element_type=jnp.float32), 0.0)
    h = jnp.maximum(
        jnp.dot(h, w1_ref[...], preferred_element_type=jnp.float32), 0.0)
    h = jnp.maximum(
        jnp.dot(h, w2_ref[...], preferred_element_type=jnp.float32), 0.0)
    o_ref[...] = lax.dot_general(
        w3_ref[...], h, (((0,), (1,)), ((), ())),
        preferred_element_type=jnp.float32)[None]
    row_ref[...] = ei_ref[0]
    col_ref[...] = ei_ref[1]


def _mlp(coeffs, W0, W1, W2, W3, edge_index):
    return pl.pallas_call(
        _mlp_body,
        grid=(_MBLK,),
        in_specs=[
            pl.BlockSpec((_MROWS, D), lambda i: (i, 0)),
            pl.BlockSpec((D, D), lambda i: (0, 0)),
            pl.BlockSpec((D, D), lambda i: (0, 0)),
            pl.BlockSpec((D, D), lambda i: (0, 0)),
            pl.BlockSpec((D, 1), lambda i: (0, 0)),
            pl.BlockSpec((2, _EB), lambda i: (0, i)),
        ],
        out_specs=[
            pl.BlockSpec((1, 1, _MROWS), lambda i: (i, 0, 0)),
            pl.BlockSpec((_EB,), lambda i: (i,)),
            pl.BlockSpec((_EB,), lambda i: (i,)),
        ],
        out_shape=[
            jax.ShapeDtypeStruct((_MBLK, 1, _MROWS), jnp.float32),
            jax.ShapeDtypeStruct((E,), jnp.int32),
            jax.ShapeDtypeStruct((E,), jnp.int32),
        ],
    )(coeffs, W0, W1, W2, W3, edge_index)



_NCORES = 1
_NTILES = 16 * _NCORES
_CH = 6400
_NCHUNK = E // _CH
_MAXR = (_NCHUNK + _NTILES - 1) // _NTILES


def _sc_body(x_hbm, z_hbm, row_hbm, col_hbm, out_hbm,
             x_v, acc_v, row_v0, col_v0, row_v1, col_v1,
             sem_x, sem_z, sem_e0, sem_e1):
    cid = lax.axis_index("c")
    sid = lax.axis_index("s")
    wid = cid * 16 + sid

    cp_z = pltpu.async_copy(z_hbm, acc_v, sem_z)
    cp_x = pltpu.async_copy(x_hbm, x_v, sem_x)
    c0 = wid * _CH
    pltpu.async_copy(row_hbm.at[pl.ds(c0, _CH)], row_v0, sem_e0)
    pltpu.async_copy(col_hbm.at[pl.ds(c0, _CH)], col_v0, sem_e0)
    cp_z.wait()
    cp_x.wait()

    def _edges(row_b, col_b):
        @plsc.parallel_loop(0, _CH // 16, unroll=16)
        def _body(i):
            o = i * 16
            c16 = col_b[pl.ds(o, 16)]
            vals = plsc.load_gather(x_v, [c16])
            r16 = row_b[pl.ds(o, 16)]
            plsc.addupdate_scatter(acc_v, [r16], vals)

    def _round(k, carry):
        ca = wid + _NTILES * 2 * k
        cb = ca + _NTILES

        @pl.when(cb < _NCHUNK)
        def _():
            pltpu.async_copy(row_hbm.at[pl.ds(cb * _CH, _CH)], row_v1, sem_e1)
            pltpu.async_copy(col_hbm.at[pl.ds(cb * _CH, _CH)], col_v1, sem_e1)

        @pl.when(ca < _NCHUNK)
        def _():
            pltpu.make_async_copy(row_hbm.at[pl.ds(ca * _CH, _CH)], row_v0, sem_e0).wait()
            pltpu.make_async_copy(col_hbm.at[pl.ds(ca * _CH, _CH)], col_v0, sem_e0).wait()
            _edges(row_v0, col_v0)

        cc = cb + _NTILES

        @pl.when(cc < _NCHUNK)
        def _():
            pltpu.async_copy(row_hbm.at[pl.ds(cc * _CH, _CH)], row_v0, sem_e0)
            pltpu.async_copy(col_hbm.at[pl.ds(cc * _CH, _CH)], col_v0, sem_e0)

        @pl.when(cb < _NCHUNK)
        def _():
            pltpu.make_async_copy(row_hbm.at[pl.ds(cb * _CH, _CH)], row_v1, sem_e1).wait()
            pltpu.make_async_copy(col_hbm.at[pl.ds(cb * _CH, _CH)], col_v1, sem_e1).wait()
            _edges(row_v1, col_v1)

        return carry

    lax.fori_loop(0, (_MAXR + 1) // 2, _round, 0)

    def _out(g, carry):
        pltpu.sync_copy(acc_v.at[pl.ds(g * _NB, _NB)], out_hbm.at[g, wid])
        return carry

    lax.fori_loop(0, _NBLK, _out, 0)


@functools.partial(jax.jit)
def _sc_scatter(x_flat, zeros, row, col):
    kfn = pl.kernel(
        _sc_body,
        out_type=jax.ShapeDtypeStruct((_NBLK, _NTILES, _NB), jnp.float32),
        mesh=plsc.VectorSubcoreMesh(
            core_axis_name="c", subcore_axis_name="s", num_cores=_NCORES),
        compiler_params=pltpu.CompilerParams(needs_layout_passes=False),
        scratch_types=[
            pltpu.VMEM((_NPAD,), jnp.float32),
            pltpu.VMEM((_NPAD,), jnp.float32),
            pltpu.VMEM((_CH,), jnp.int32),
            pltpu.VMEM((_CH,), jnp.int32),
            pltpu.VMEM((_CH,), jnp.int32),
            pltpu.VMEM((_CH,), jnp.int32),
            pltpu.SemaphoreType.DMA,
            pltpu.SemaphoreType.DMA,
            pltpu.SemaphoreType.DMA,
            pltpu.SemaphoreType.DMA,
        ],
    )
    return kfn(x_flat, zeros, row, col)




def _comb_body(x_ref, p_ref, o_ref):
    o_ref[...] = x_ref[0, 0] + jnp.sum(p_ref[0], axis=0) * jnp.float32(DECAY)


def _combine(X2, partials):
    return pl.pallas_call(
        _comb_body,
        grid=(_NBLK,),
        in_specs=[
            pl.BlockSpec((1, 1, _NB), lambda i: (i, 0, 0)),
            pl.BlockSpec((1, _NTILES, _NB), lambda i: (i, 0, 0)),
        ],
        out_specs=pl.BlockSpec((_NB,), lambda i: (i,)),
        out_shape=jax.ShapeDtypeStruct((N,), jnp.float32),
    )(X2, partials)


def kernel(coeffs, edge_index, W0, W1, W2, W3):
    Xm, row, col = _mlp(coeffs, W0, W1, W2, W3, edge_index)
    x_flat = Xm.reshape(_MBLK * _MROWS)[:_NPAD]
    X2 = x_flat.reshape(_NBLK, 1, _NB)
    zeros = jnp.zeros((_NPAD,), jnp.float32)
    partials = _sc_scatter(x_flat, zeros, row, col)
    return _combine(X2, partials)[:, None]

# --- scband reference (transcript-rebuilt; emitter-appended) ---
"""Pipeline reference for scband-ro-gpelinear-node-encoder-37684043055138 (READ-ONLY COPY).

The authoritative reference and input builder live on the scoring server;
editing this copy changes nothing except your own understanding.
"""

import jax, jax.numpy as jnp
import numpy as np

N = 50000
E = 1600000
D = 256
OUT = 1
ALPHA = 2.0


def setup_inputs(seed: int = 0) -> dict:
    key = jax.random.key(seed)
    ks = jax.random.split(key, 8)
    coeffs = jax.random.normal(ks[0], (N, D), dtype=jnp.float32)
    edge_index = jax.random.randint(ks[1], (2, E), 0, N, dtype=jnp.int32)
    s = 1.0 / np.sqrt(D)
    W0 = jax.random.normal(ks[2], (D, D), dtype=jnp.float32) * s
    W1 = jax.random.normal(ks[3], (D, D), dtype=jnp.float32) * s
    W2 = jax.random.normal(ks[4], (D, D), dtype=jnp.float32) * s
    W3 = jax.random.normal(ks[5], (D, OUT), dtype=jnp.float32) * s
    return {"coeffs": coeffs, "edge_index": edge_index, "W0": W0, "W1": W1, "W2": W2, "W3": W3}


def reference(coeffs, edge_index, W0, W1, W2, W3):
    # MLP (n_hidden_layers+2 = 4 linear layers, no bias, no BN/dropout in eval)
    h = jax.nn.relu(coeffs @ W0)
    h = jax.nn.relu(h @ W1)
    h = jax.nn.relu(h @ W2)
    X = h @ W3  # [N, 1] rotation angles
    # aggregate_k_hop with k=1: enhanced = X + scatter_add(X[col] * exp(-alpha*1), row)
    row = edge_index[0]
    col = edge_index[1]
    msg = X[col] * jnp.float32(np.exp(-ALPHA * 1.0))
    step = jnp.zeros_like(X).at[row].add(msg)
    enhanced = X + step
    return enhanced

if __name__ == "__main__":
    import jax
    _d = setup_inputs()
    print(jax.jit(kernel)(*tuple(_d.values())))

</pallas_src>

<mosaic_0001>
#map = affine_map<(d0, d1) -> (0)>
#map1 = affine_map<(d0, d1) -> (0, 0, 0)>
module attributes {stable_mosaic.version = 14 : i64} {
  func.func @_sc_body(%arg0: i32, %arg1: i32, %arg2: memref<51200xf32, #tpu.memory_space<hbm>>, %arg3: memref<51200xf32, #tpu.memory_space<hbm>>, %arg4: memref<1600000xi32, #tpu.memory_space<hbm>>, %arg5: memref<1600000xi32, #tpu.memory_space<hbm>>, %arg6: memref<25x16x2048xf32, #tpu.memory_space<hbm>>, %arg7: memref<51200xf32, #tpu.memory_space<vmem>>, %arg8: memref<51200xf32, #tpu.memory_space<vmem>>, %arg9: memref<6400xi32, #tpu.memory_space<vmem>>, %arg10: memref<6400xi32, #tpu.memory_space<vmem>>, %arg11: memref<6400xi32, #tpu.memory_space<vmem>>, %arg12: memref<6400xi32, #tpu.memory_space<vmem>>, %arg13: memref<!tpu.dma_semaphore, #tpu.memory_space<semaphore_mem>>, %arg14: memref<!tpu.dma_semaphore, #tpu.memory_space<semaphore_mem>>, %arg15: memref<!tpu.dma_semaphore, #tpu.memory_space<semaphore_mem>>, %arg16: memref<!tpu.dma_semaphore, #tpu.memory_space<semaphore_mem>>) attributes {dimension_semantics = [#tpu.dimension_semantics<core_parallel>, #tpu.dimension_semantics<subcore_parallel>], iteration_bounds = array<i64: 1, 16>, scalar_prefetch = 0 : i64, scratch_operands = 10 : i64, tpu.core_type = #tpu.core_type<sc_vector_subcore>, window_params = [{transform_indices = #map}, {transform_indices = #map}, {transform_indices = #map}, {transform_indices = #map}, {transform_indices = #map1}]} {
    %mul3A = arith.constant 16 : i32
    %mul3A_0 = arith.muli %arg0, %mul3A : i32
    %add3A = arith.addi %mul3A_0, %arg1 : i32
    tpu.enqueue_dma source(%arg3 : memref<51200xf32, #tpu.memory_space<hbm>>) target(%arg8 : memref<51200xf32, #tpu.memory_space<vmem>>) target_semaphore(%arg14 : memref<!tpu.dma_semaphore, #tpu.memory_space<semaphore_mem>>)
    tpu.enqueue_dma source(%arg2 : memref<51200xf32, #tpu.memory_space<hbm>>) target(%arg7 : memref<51200xf32, #tpu.memory_space<vmem>>) target_semaphore(%arg13 : memref<!tpu.dma_semaphore, #tpu.memory_space<semaphore_mem>>)
    %mul3A_1 = arith.constant 6400 : i32
    %mul3A_2 = arith.muli %add3A, %mul3A_1 : i32
    %dma_start3A = tpu.memref_slice %arg4[%mul3A_2] : memref<1600000xi32, #tpu.memory_space<hbm>> -> memref<6400xi32, #tpu.memory_space<hbm>>
    %dma_start3A_3 = tpu.memref_slice %arg4[%mul3A_2] : memref<1600000xi32, #tpu.memory_space<hbm>> -> memref<6400xi32, #tpu.memory_space<hbm>>
    tpu.enqueue_dma source(%dma_start3A_3 : memref<6400xi32, #tpu.memory_space<hbm>>) target(%arg9 : memref<6400xi32, #tpu.memory_space<vmem>>) target_semaphore(%arg15 : memref<!tpu.dma_semaphore, #tpu.memory_space<semaphore_mem>>)
    %dma_start3A_4 = tpu.memref_slice %arg5[%mul3A_2] : memref<1600000xi32, #tpu.memory_space<hbm>> -> memref<6400xi32, #tpu.memory_space<hbm>>
    %dma_start3A_5 = tpu.memref_slice %arg5[%mul3A_2] : memref<1600000xi32, #tpu.memory_space<hbm>> -> memref<6400xi32, #tpu.memory_space<hbm>>
    tpu.enqueue_dma source(%dma_start3A_5 : memref<6400xi32, #tpu.memory_space<hbm>>) target(%arg10 : memref<6400xi32, #tpu.memory_space<vmem>>) target_semaphore(%arg15 : memref<!tpu.dma_semaphore, #tpu.memory_space<semaphore_mem>>)
    tpu.wait_dma2 semaphore(%arg14 : memref<!tpu.dma_semaphore, #tpu.memory_space<semaphore_mem>>) src(%arg3 : memref<51200xf32, #tpu.memory_space<hbm>>) dst(%arg8 : memref<51200xf32, #tpu.memory_space<vmem>>)
    tpu.wait_dma2 semaphore(%arg13 : memref<!tpu.dma_semaphore, #tpu.memory_space<semaphore_mem>>) src(%arg2 : memref<51200xf32, #tpu.memory_space<hbm>>) dst(%arg7 : memref<51200xf32, #tpu.memory_space<vmem>>)
    %scan3A = arith.constant 0 : i32
    %scan3A_6 = arith.constant 0 : i32
    %scan3A_7 = arith.constant 8 : i32
    %scan3A_8 = arith.addi %scan3A_6, %scan3A_7 : i32
    %scan3A_9 = arith.constant 1 : i32
    scf.for %scan3A_17 = %scan3A_6 to %scan3A_8 step %scan3A_9  : i32 {
      %mul3A_18 = arith.constant 32 : i32
      %mul3A_19 = arith.muli %mul3A_18, %scan3A_17 : i32
      %add3A_20 = arith.addi %add3A, %mul3A_19 : i32
      %add3A_21 = arith.constant 16 : i32
      %add3A_22 = arith.addi %add3A_20, %add3A_21 : i32
      %lt3A = arith.constant 250 : i32
      %lt3A_23 = arith.cmpi slt, %add3A_22, %lt3A : i32
      %convert_element_type3A = arith.extui %lt3A_23 : i1 to i32
      %cond3A = arith.constant 0 : i32
      %cond3A_24 = arith.cmpi ne, %convert_element_type3A, %cond3A : i32
      scf.if %cond3A_24 {
        %mul3A_42 = arith.constant 6400 : i32
        %mul3A_43 = arith.muli %add3A_22, %mul3A_42 : i32
        %dma_start3A_44 = tpu.memref_slice %arg4[%mul3A_43] : memref<1600000xi32, #tpu.memory_space<hbm>> -> memref<6400xi32, #tpu.memory_space<hbm>>
        %dma_start3A_45 = tpu.memref_slice %arg4[%mul3A_43] : memref<1600000xi32, #tpu.memory_space<hbm>> -> memref<6400xi32, #tpu.memory_space<hbm>>
        tpu.enqueue_dma source(%dma_start3A_45 : memref<6400xi32, #tpu.memory_space<hbm>>) target(%arg11 : memref<6400xi32, #tpu.memory_space<vmem>>) target_semaphore(%arg16 : memref<!tpu.dma_semaphore, #tpu.memory_space<semaphore_mem>>)
        %mul3A_46 = arith.constant 6400 : i32
        %mul3A_47 = arith.muli %add3A_22, %mul3A_46 : i32
        %dma_start3A_48 = tpu.memref_slice %arg5[%mul3A_47] : memref<1600000xi32, #tpu.memory_space<hbm>> -> memref<6400xi32, #tpu.memory_space<hbm>>
        %dma_start3A_49 = tpu.memref_slice %arg5[%mul3A_47] : memref<1600000xi32, #tpu.memory_space<hbm>> -> memref<6400xi32, #tpu.memory_space<hbm>>
        tpu.enqueue_dma source(%dma_start3A_49 : memref<6400xi32, #tpu.memory_space<hbm>>) target(%arg12 : memref<6400xi32, #tpu.memory_space<vmem>>) target_semaphore(%arg16 : memref<!tpu.dma_semaphore, #tpu.memory_space<semaphore_mem>>)
      } else {
      }
      %lt3A_25 = arith.constant 250 : i32
      %lt3A_26 = arith.cmpi slt, %add3A_20, %lt3A_25 : i32
      %convert_element_type3A_27 = arith.extui %lt3A_26 : i1 to i32
      %cond3A_28 = arith.constant 0 : i32
      %cond3A_29 = arith.cmpi ne, %convert_element_type3A_27, %cond3A_28 : i32
      scf.if %cond3A_29 {
        %mul3A_42 = arith.constant 6400 : i32
        %mul3A_43 = arith.muli %add3A_20, %mul3A_42 : i32
        %dma_wait3A = tpu.memref_slice %arg4[%mul3A_43] : memref<1600000xi32, #tpu.memory_space<hbm>> -> memref<6400xi32, #tpu.memory_space<hbm>>
        %dma_wait3A_44 = tpu.memref_slice %arg4[%mul3A_43] : memref<1600000xi32, #tpu.memory_space<hbm>> -> memref<6400xi32, #tpu.memory_space<hbm>>
        tpu.wait_dma2 semaphore(%arg15 : memref<!tpu.dma_semaphore, #tpu.memory_space<semaphore_mem>>) src(%dma_wait3A_44 : memref<6400xi32, #tpu.memory_space<hbm>>) dst(%arg9 : memref<6400xi32, #tpu.memory_space<vmem>>)
        %mul3A_45 = arith.constant 6400 : i32
        %mul3A_46 = arith.muli %add3A_20, %mul3A_45 : i32
        %dma_wait3A_47 = tpu.memref_slice %arg5[%mul3A_46] : memref<1600000xi32, #tpu.memory_space<hbm>> -> memref<6400xi32, #tpu.memory_space<hbm>>
        %dma_wait3A_48 = tpu.memref_slice %arg5[%mul3A_46] : memref<1600000xi32, #tpu.memory_space<hbm>> -> memref<6400xi32, #tpu.memory_space<hbm>>
        tpu.wait_dma2 semaphore(%arg15 : memref<!tpu.dma_semaphore, #tpu.memory_space<semaphore_mem>>) src(%dma_wait3A_48 : memref<6400xi32, #tpu.memory_space<hbm>>) dst(%arg10 : memref<6400xi32, #tpu.memory_space<vmem>>)
        %parallel_loop3A = arith.constant 0 : i32
        %parallel_loop3A_49 = arith.constant 400 : i32
        %parallel_loop3A_50 = arith.constant 1 : i32
        scf.for %parallel_loop3A_51 = %parallel_loop3A to %parallel_loop3A_49 step %parallel_loop3A_50  : i32 {
          %parallel_loop3A_52 = arith.constant 16 : i32
          %parallel_loop3A_53 = arith.muli %parallel_loop3A_51, %parallel_loop3A_52 : i32
          %parallel_loop3A_54 = arith.index_cast %parallel_loop3A_53 : i32 to index
          %parallel_loop3A_55 = tpu.vector_load %arg10[%parallel_loop3A_54] {strides = array<i32>} : memref<6400xi32, #tpu.memory_space<vmem>>, vector<16xi32>,
          %parallel_loop3A_56 = tpu.vector_load_idx %arg7[%parallel_loop3A_55] : memref<51200xf32, #tpu.memory_space<vmem>>[vector<16xi32>], vector<16xf32>,
          %parallel_loop3A_57 = arith.index_cast %parallel_loop3A_53 : i32 to index
          %parallel_loop3A_58 = tpu.vector_load %arg9[%parallel_loop3A_57] {strides = array<i32>} : memref<6400xi32, #tpu.memory_space<vmem>>, vector<16xi32>,
          tpu.vector_store_idx %arg8[%parallel_loop3A_58], %parallel_loop3A_56 {add = true} : memref<51200xf32, #tpu.memory_space<vmem>>[vector<16xi32>], vector<16xf32>,
        } {sc.loop_unroll_factor = 16 : i64, sc.parallel_access}
      } else {
      }
      %add3A_30 = arith.constant 16 : i32
      %add3A_31 = arith.addi %add3A_22, %add3A_30 : i32
      %lt3A_32 = arith.constant 250 : i32
      %lt3A_33 = arith.cmpi slt, %add3A_31, %lt3A_32 : i32
      %convert_element_type3A_34 = arith.extui %lt3A_33 : i1 to i32
      %cond3A_35 = arith.constant 0 : i32
      %cond3A_36 = arith.cmpi ne, %convert_element_type3A_34, %cond3A_35 : i32
      scf.if %cond3A_36 {
        %mul3A_42 = arith.constant 6400 : i32
        %mul3A_43 = arith.muli %add3A_31, %mul3A_42 : i32
        %dma_start3A_44 = tpu.memref_slice %arg4[%mul3A_43] : memref<1600000xi32, #tpu.memory_space<hbm>> -> memref<6400xi32, #tpu.memory_space<hbm>>
        %dma_start3A_45 = tpu.memref_slice %arg4[%mul3A_43] : memref<1600000xi32, #tpu.memory_space<hbm>> -> memref<6400xi32, #tpu.memory_space<hbm>>
        tpu.enqueue_dma source(%dma_start3A_45 : memref<6400xi32, #tpu.memory_space<hbm>>) target(%arg9 : memref<6400xi32, #tpu.memory_space<vmem>>) target_semaphore(%arg15 : memref<!tpu.dma_semaphore, #tpu.memory_space<semaphore_mem>>)
        %mul3A_46 = arith.constant 6400 : i32
        %mul3A_47 = arith.muli %add3A_31, %mul3A_46 : i32
        %dma_start3A_48 = tpu.memref_slice %arg5[%mul3A_47] : memref<1600000xi32, #tpu.memory_space<hbm>> -> memref<6400xi32, #tpu.memory_space<hbm>>
        %dma_start3A_49 = tpu.memref_slice %arg5[%mul3A_47] : memref<1600000xi32, #tpu.memory_space<hbm>> -> memref<6400xi32, #tpu.memory_space<hbm>>
        tpu.enqueue_dma source(%dma_start3A_49 : memref<6400xi32, #tpu.memory_space<hbm>>) target(%arg10 : memref<6400xi32, #tpu.memory_space<vmem>>) target_semaphore(%arg15 : memref<!tpu.dma_semaphore, #tpu.memory_space<semaphore_mem>>)
      } else {
      }
      %lt3A_37 = arith.constant 250 : i32
      %lt3A_38 = arith.cmpi slt, %add3A_22, %lt3A_37 : i32
      %convert_element_type3A_39 = arith.extui %lt3A_38 : i1 to i32
      %cond3A_40 = arith.constant 0 : i32
      %cond3A_41 = arith.cmpi ne, %convert_element_type3A_39, %cond3A_40 : i32
      scf.if %cond3A_41 {
        %mul3A_42 = arith.constant 6400 : i32
        %mul3A_43 = arith.muli %add3A_22, %mul3A_42 : i32
        %dma_wait3A = tpu.memref_slice %arg4[%mul3A_43] : memref<1600000xi32, #tpu.memory_space<hbm>> -> memref<6400xi32, #tpu.memory_space<hbm>>
        %dma_wait3A_44 = tpu.memref_slice %arg4[%mul3A_43] : memref<1600000xi32, #tpu.memory_space<hbm>> -> memref<6400xi32, #tpu.memory_space<hbm>>
        tpu.wait_dma2 semaphore(%arg16 : memref<!tpu.dma_semaphore, #tpu.memory_space<semaphore_mem>>) src(%dma_wait3A_44 : memref<6400xi32, #tpu.memory_space<hbm>>) dst(%arg11 : memref<6400xi32, #tpu.memory_space<vmem>>)
        %mul3A_45 = arith.constant 6400 : i32
        %mul3A_46 = arith.muli %add3A_22, %mul3A_45 : i32
        %dma_wait3A_47 = tpu.memref_slice %arg5[%mul3A_46] : memref<1600000xi32, #tpu.memory_space<hbm>> -> memref<6400xi32, #tpu.memory_space<hbm>>
        %dma_wait3A_48 = tpu.memref_slice %arg5[%mul3A_46] : memref<1600000xi32, #tpu.memory_space<hbm>> -> memref<6400xi32, #tpu.memory_space<hbm>>
        tpu.wait_dma2 semaphore(%arg16 : memref<!tpu.dma_semaphore, #tpu.memory_space<semaphore_mem>>) src(%dma_wait3A_48 : memref<6400xi32, #tpu.memory_space<hbm>>) dst(%arg12 : memref<6400xi32, #tpu.memory_space<vmem>>)
        %parallel_loop3A = arith.constant 0 : i32
        %parallel_loop3A_49 = arith.constant 400 : i32
        %parallel_loop3A_50 = arith.constant 1 : i32
        scf.for %parallel_loop3A_51 = %parallel_loop3A to %parallel_loop3A_49 step %parallel_loop3A_50  : i32 {
          %parallel_loop3A_52 = arith.constant 16 : i32
          %parallel_loop3A_53 = arith.muli %parallel_loop3A_51, %parallel_loop3A_52 : i32
          %parallel_loop3A_54 = arith.index_cast %parallel_loop3A_53 : i32 to index
          %parallel_loop3A_55 = tpu.vector_load %arg12[%parallel_loop3A_54] {strides = array<i32>} : memref<6400xi32, #tpu.memory_space<vmem>>, vector<16xi32>,
          %parallel_loop3A_56 = tpu.vector_load_idx %arg7[%parallel_loop3A_55] : memref<51200xf32, #tpu.memory_space<vmem>>[vector<16xi32>], vector<16xf32>,
          %parallel_loop3A_57 = arith.index_cast %parallel_loop3A_53 : i32 to index
          %parallel_loop3A_58 = tpu.vector_load %arg11[%parallel_loop3A_57] {strides = array<i32>} : memref<6400xi32, #tpu.memory_space<vmem>>, vector<16xi32>,
          tpu.vector_store_idx %arg8[%parallel_loop3A_58], %parallel_loop3A_56 {add = true} : memref<51200xf32, #tpu.memory_space<vmem>>[vector<16xi32>], vector<16xf32>,
        } {sc.loop_unroll_factor = 16 : i64, sc.parallel_access}
      } else {
      }
    }
    %scan3A_10 = arith.constant 8 : i32
    %scan3A_11 = arith.constant 0 : i32
    %scan3A_12 = arith.constant 0 : i32
    %scan3A_13 = arith.constant 25 : i32
    %scan3A_14 = arith.addi %scan3A_12, %scan3A_13 : i32
    %scan3A_15 = arith.constant 1 : i32
    scf.for %scan3A_17 = %scan3A_12 to %scan3A_14 step %scan3A_15  : i32 {
      %mul3A_18 = arith.constant 2048 : i32
      %mul3A_19 = arith.muli %scan3A_17, %mul3A_18 : i32
      "tpu.region"() ({
        %run_scoped3A = tpu.sem_alloc : memref<!tpu.dma_semaphore, #tpu.memory_space<semaphore_mem>>
        %dma_start3A_20 = tpu.memref_slice %arg8[%mul3A_19] : memref<51200xf32, #tpu.memory_space<vmem>> -> memref<2048xf32, #tpu.memory_space<vmem>>
        %dma_start3A_21 = arith.constant 0 : i32
        %dma_start3A_22 = tpu.memref_slice %arg6[%scan3A_17, %add3A, %dma_start3A_21] : memref<25x16x2048xf32, #tpu.memory_space<hbm>> -> memref<1x1x2048xf32, #tpu.memory_space<hbm>>
        %dma_start3A_23 = tpu.memref_squeeze %dma_start3A_22 : memref<1x1x2048xf32, #tpu.memory_space<hbm>> -> memref<2048xf32, #tpu.memory_space<hbm>>
        %dma_start3A_24 = arith.constant 0 : i32
        %dma_start3A_25 = tpu.memref_slice %arg6[%scan3A_17, %add3A, %dma_start3A_24] : memref<25x16x2048xf32, #tpu.memory_space<hbm>> -> memref<1x1x2048xf32, #tpu.memory_space<hbm>>
        %dma_start3A_26 = tpu.memref_squeeze %dma_start3A_25 : memref<1x1x2048xf32, #tpu.memory_space<hbm>> -> memref<2048xf32, #tpu.memory_space<hbm>>
        %dma_start3A_27 = tpu.memref_slice %arg8[%mul3A_19] : memref<51200xf32, #tpu.memory_space<vmem>> -> memref<2048xf32, #tpu.memory_space<vmem>>
        tpu.enqueue_dma source(%dma_start3A_27 : memref<2048xf32, #tpu.memory_space<vmem>>) target(%dma_start3A_26 : memref<2048xf32, #tpu.memory_space<hbm>>) target_semaphore(%run_scoped3A : memref<!tpu.dma_semaphore, #tpu.memory_space<semaphore_mem>>)
        %dma_wait3A = tpu.memref_slice %arg8[%mul3A_19] : memref<51200xf32, #tpu.memory_space<vmem>> -> memref<2048xf32, #tpu.memory_space<vmem>>
        %dma_wait3A_28 = arith.constant 0 : i32
        %dma_wait3A_29 = tpu.memref_slice %arg6[%scan3A_17, %add3A, %dma_wait3A_28] : memref<25x16x2048xf32, #tpu.memory_space<hbm>> -> memref<1x1x2048xf32, #tpu.memory_space<hbm>>
        %dma_wait3A_30 = tpu.memref_squeeze %dma_wait3A_29 : memref<1x1x2048xf32, #tpu.memory_space<hbm>> -> memref<2048xf32, #tpu.memory_space<hbm>>
        %dma_wait3A_31 = arith.constant 0 : i32
        %dma_wait3A_32 = tpu.memref_slice %arg6[%scan3A_17, %add3A, %dma_wait3A_31] : memref<25x16x2048xf32, #tpu.memory_space<hbm>> -> memref<1x1x2048xf32, #tpu.memory_space<hbm>>
        %dma_wait3A_33 = tpu.memref_squeeze %dma_wait3A_32 : memref<1x1x2048xf32, #tpu.memory_space<hbm>> -> memref<2048xf32, #tpu.memory_space<hbm>>
        %dma_wait3A_34 = tpu.memref_slice %arg8[%mul3A_19] : memref<51200xf32, #tpu.memory_space<vmem>> -> memref<2048xf32, #tpu.memory_space<vmem>>
        tpu.wait_dma2 semaphore(%run_scoped3A : memref<!tpu.dma_semaphore, #tpu.memory_space<semaphore_mem>>) src(%dma_wait3A_34 : memref<2048xf32, #tpu.memory_space<vmem>>) dst(%dma_wait3A_33 : memref<2048xf32, #tpu.memory_space<hbm>>)
        tpu.yield
      }) : () -> ()
    }
    %scan3A_16 = arith.constant 25 : i32
    return
  }
}

</mosaic_0001>

<sc_bundles>
// kernel: _sc_scatter.3.cloned.1.call-start
scs
__scs_entry_jumppad:
0x0: {  	(pc) =	sbr.rel $0x88, $3  }
0x1: {  	(tag) =	ssettag $0x0;
	lr =	simm.s32 $0x1  }
0x2: {  	[smem:$0x3F9D] =	sst lr;
	_ =	strace $0xD0000000  }
0x3: {  	_ = 	snop  }
0x4: {  	_ = 	snop  }
0x5: {  	_ = 	snop  }
0x6: {  	_ = 	snop  }
0x7: {  	_ = 	snop  }
__scs_overlays_trampoline_lowered:
0x8: {  	[smem:$0x3FAC] =	sst s0  }
0x9: {  	[smem:$0x3FAD] =	sst s1  }
0xa: {  	[smem:$0x3FAE] =	sst s2  }
0xb: {  	[smem:$0x3FAF] =	sst s3  }
0xc: {  	[smem:$0x3FB0] =	sst s4  }
0xd: {  	[smem:$0x3FB1] =	sst s5  }
0xe: {  	[smem:$0x3FB2] =	sst s6  }
0xf: {  	[smem:$0x3FB3] =	sst s7  }
0x10: {  	[smem:$0x3FB4] =	sst s8  }
0x11: {  	[smem:$0x3FB5] =	sst s9;
	s0 =	simm.s32 @!p0 $0x0  }
0x12: {  	s1 =	sld [smem:$0x3F9B];
	s0 =	simm.s32 @p0 $0x1  }
0x13: {  	[smem:$0x3FB6] =	sst s0;
	s0 =	simm.s32 @!p1 $0x0  }
0x14: {  	s2 =	sld [smem:$0x3F9A];
	s0 =	simm.s32 @p1 $0x1  }
0x15: {  	[smem:$0x3FB7] =	sst s0;
	s0 =	simm.s32 @!p2 $0x0  }
0x16: {  	s3 =	sld [smem:$0x3FDB];
	s0 =	simm.s32 @p2 $0x1  }
0x17: {  	s4 =	simm.s32 $0x1BF5;
	[smem:$0x3FB9] =	sst s0  }
0x18: {  	s0 =	sld [smem:$0x3F9C];
	_ =	swait.ge [sflag:s4], $0x0  }
0x19: {  	s7 =	sld [smem:$0x3F9D]  }
0x1a: {  	s8 =	sadd.s32 $0xFFFFE003, lr  }
0x1b: {  	s9 =	sadd.s32 $0xFFFFFEF7, lr;
	s5 =	simm.s32 $0xFFFFFFFF;
	p2 =	slt.u32 s8, $0xFFFFF086  }
0x1c: {  	p1 =	slt.u32 s9, $0xF7A;
	s5 =	simm.s32 @!p2 $0x0  }
0x1d: {  	s5 =	simm.s32 @p1 $0x1;
	p0 =	seq.s32 s7, s2  }
0x1e: {  	s7 =	smul.u32 @!p0 $0xF7A, s2;
	p2 =	seq.s32 @!p0 s5, $0x0  }
0x1f: {  	s9 =	smul.u32 $0xF7A, s1;
	s8 =	simm.s32 @!p0 $0x1BF5;
	p2 =	por !p2, p0  }
0x20: {  	[sflag:s8] =	ssyncset.s32 @!p0 $0xFFFFF086;
	s6 =	sadd.s32 @!p0 s3, s7;
	s7 =	simm.s32 @!p0 $0x108  }
0x21: {  	s3 =	sadd.s32 s3, s9;
	s6 =	sadd.s32 @!p0 $0x88, s6;
	s7 =	simm.s32 @p2 $0x1082  }
0x22: {  	[simem:s7], [sflag:s8] =	dma.local @!p0 [hbm:s6], $0xF7A  }
0x23: {  	s9 =	sor.u32 $0xD0000000, s2;
	s6 =	simm.s32 $0x108;
	_ =	swait.ge @!p0 [sflag:s8], $0x0  }
0x24: {  	s3 =	sadd.s32 $0x88, s3;
	s6 =	simm.s32 @!p1 $0x1082;
	[sflag:s4] =	ssyncset.s32 $0xFFFFF086  }
0x25: {  	[simem:s6], [sflag:s4] =	dma.local [hbm:s3], $0xF7A  }
0x26: {  	[smem:$0x3F9D] =	sst s1;
	(tag) =	ssettag s2;
	_ =	strace s9  }
0x27: {  	s1 =	sld [smem:$0x3FAD]  }
0x28: {  	s2 =	sld [smem:$0x3FAE]  }
0x29: {  	s4 =	sld [smem:$0x3FB0]  }
0x2a: {  	p0 =	seq.s32 s5, $0x0;
	s5 =	sld [smem:$0x3FB1]  }
0x2b: {  	s6 =	sld [smem:$0x3FB2]  }
0x2c: {  	s7 =	sld [smem:$0x3FB3]  }
0x2d: {  	s3 =	simm.s32 $0x108;
	s8 =	sld [smem:$0x3FB4]  }
0x2e: {  	s3 =	simm.s32 @!p0 $0x1082;
	s9 =	sld [smem:$0x3FB5]  }
0x2f: {  	lr =	sadd.s32 s0, s3;
	s0 =	sld [smem:$0x3FAC]  }
0x30: {  	s3 =	sld [smem:$0x3FAF]  }
0x31: {  	[smem:$0x3FB8] =	sst s10  }
0x32: {  	s10 =	sld [smem:$0x3FB6];
	_ =	sdelay $0x3  }
0x33: {  	p0 =	seq.s32 s10, $0x1;
	s10 =	sld [smem:$0x3FB8];
	_ =	sdelay $0x3  }
0x34: {  	[smem:$0x3FB8] =	sst s10  }
0x35: {  	s10 =	sld [smem:$0x3FB7];
	_ =	sdelay $0x3  }
0x36: {  	p1 =	seq.s32 s10, $0x1;
	s10 =	sld [smem:$0x3FB8];
	_ =	sdelay $0x3  }
0x37: {  	[smem:$0x3FB8] =	sst s10  }
0x38: {  	s10 =	sld [smem:$0x3FB9]  }
0x39: {  	_ = 	snop;
	(pc) =	sbr.ind lr, $3  }
0x3a: {  	_ = 	snop  }
0x3b: {  	_ = 	snop  }
0x3c: {  	p2 =	seq.s32 s10, $0x1;
	s10 =	sld [smem:$0x3FB8]  }
0x3d: {  	_ =	shalt  }
0x3e: {  	_ =	shalt  }
0x3f: {  	_ =	shalt  }
0x40: {  	_ =	shalt  }
0x41: {  	_ =	shalt  }
0x42: {  	_ =	shalt  }
0x43: {  	_ =	shalt  }
0x44: {  	_ =	shalt  }
0x45: {  	_ =	shalt  }
0x46: {  	_ =	shalt  }
0x47: {  	_ =	shalt  }
0x48: {  	_ =	shalt  }
0x49: {  	_ =	shalt  }
0x4a: {  	_ =	shalt  }
0x4b: {  	_ =	shalt  }
0x4c: {  	_ =	shalt  }
0x4d: {  	_ =	shalt  }
0x4e: {  	_ =	shalt  }
0x4f: {  	_ =	shalt  }
0x50: {  	_ =	shalt  }
0x51: {  	_ =	shalt  }
0x52: {  	_ =	shalt  }
0x53: {  	_ =	shalt  }
0x54: {  	_ =	shalt  }
0x55: {  	_ =	shalt  }
0x56: {  	_ =	shalt  }
0x57: {  	_ =	shalt  }
0x58: {  	_ =	shalt  }
0x59: {  	_ =	shalt  }
0x5a: {  	_ =	shalt  }
0x5b: {  	_ =	shalt  }
0x5c: {  	_ =	shalt  }
0x5d: {  	_ =	shalt  }
0x5e: {  	_ =	shalt  }
0x5f: {  	_ =	shalt  }
0x60: {  	_ =	shalt  }
0x61: {  	_ =	shalt  }
0x62: {  	_ =	shalt  }
0x63: {  	_ =	shalt  }
0x64: {  	_ =	shalt  }
0x65: {  	_ =	shalt  }
0x66: {  	_ =	shalt  }
0x67: {  	_ =	shalt  }
0x68: {  	_ =	shalt  }
0x69: {  	_ =	shalt  }
0x6a: {  	_ =	shalt  }
0x6b: {  	_ =	shalt  }
0x6c: {  	_ =	shalt  }
0x6d: {  	_ =	shalt  }
0x6e: {  	_ =	shalt  }
0x6f: {  	_ =	shalt  }
0x70: {  	_ =	shalt  }
0x71: {  	_ =	shalt  }
0x72: {  	_ =	shalt  }
0x73: {  	_ =	shalt  }
0x74: {  	_ =	shalt  }
0x75: {  	_ =	shalt  }
0x76: {  	_ =	shalt  }
0x77: {  	_ =	shalt  }
0x78: {  	_ =	shalt  }
0x79: {  	_ =	shalt  }
0x7a: {  	_ =	shalt  }
0x7b: {  	_ =	shalt  }
0x7c: {  	_ =	shalt  }
0x7d: {  	_ =	shalt  }
0x7e: {  	_ =	shalt  }
0x7f: {  	_ =	shalt  }
0x80: {  	_ =	shalt  }
0x81: {  	_ =	shalt  }
0x82: {  	_ =	shalt  }
0x83: {  	_ =	shalt  }
0x84: {  	_ =	shalt  }
0x85: {  	_ =	shalt  }
0x86: {  	_ =	shalt  }
0x87: {  	_ =	shalt  }
.Lfunc_end0:
.L_simem_size_0:
called_computation_lowered:
.L_overlay_start_0:
0x88: {  	s0 =	sld [smem:$0x3FD9]  }
0x89: {  	s1 =	sld [smem:$0x3FFE];
	_ =	sdelay $0x3  }
0x8a: {  	s0 =	sadd.s32 s1, s0  }
0x8b: {  	[smem:$0x3FC4] =	sst s0  }
0x8c: {  	_ = 	snop  }
0x8d: {  	s0 =	sld [smem:$0x3FC9]  }
0x8e: {  	s17 =	sld [smem:$0x3FC8]  }
0x8f: {  	s2 =	sld [smem:$0x3FC7]  }
0x90: {  	s3 =	sld [smem:$0x3FC6]  }
0x91: {  	s4 =	sld [smem:$0x3FD0];
	(tm) =	ssettm $0x1  }
0x92: {  	s5 =	sld [smem:$0x3FFB];
	_ =	sdelay $0x3  }
0x93: {  	_ =	strace s5  }
0x94: {  	s5 =	sld [smem:$0x3FFC];
	_ =	sdelay $0x3  }
0x95: {  	_ =	strace s5  }
0x96: {  	s5 =	sld [smem:$0x3FFD];
	_ =	sdelay $0x3  }
0x97: {  	_ =	strace s5  }
0x98: {  	_ =	strace $0x8FFFFFFF  }
0x99: {  	s18 =	sld [smem:$0x3FDB];
	_ =	sdelay $0x1  }
0x9a: {  	s6 =	simm.s32 $_scs_section_size  }
0x9b: {  	s7 =	simm.s32 $_size__tile_overlayer_lowered;
	s8 =	simm.s32 $_tile_overlayer_lowered  }
0x9c: {  	s21 =	simm.s32 $0x1BFF;
	s20 =	sshll.u32 s8, $0x1;
	s5 =	sadd.s32 s6, s18  }
0x9d: {  	s9 =	simm.s32 $0x0;
	s19 =	sshll.u32 s7, $0x1;
	s7 =	sadd.s32 s20, s5  }
0x9e: {  	[timem:s9], [sflag:s21] =	dma.local [hbm:s7], s19  }
0x9f: {  	_ =	swait.ge [sflag:s21], s19  }
0xa0: {  	s6 =	ssub.s32 $0x0, s19;
	[sflag:s21] =	ssyncset.done $0x0  }
0xa1: {  	[sflag:s21] =	ssyncadd.s32 s6;
	_ =	sdelay $0x1  }
0xa2: {  	s22 =	simm.s32 $0x1B8B  }
0xa3: {  	_ =	swait.ge [sflag:s22], $0x1  }
0xa4: {  	[sflag:s22] =	ssyncset.done $0x0  }
0xa5: {  	s23 =	simm.s32 $0x1B8E;
	[sflag:s22] =	ssyncadd.s32 $0xFFFFFFFF  }
0xa6: {  	s24 =	simm.s32 $execute0_lowered;
	[smem:$0x3FD2] =	sst s23  }
0xa7: {  	s6 =	sshll.u32 s24, $0x1;
	_ =	strace $0x80000046;
	[dreg:$0x1] =	wrdreg $0xFFFFFFFF  }
0xa8: {  	s25 =	simm.s32 $_size_execute0_lowered;
	s5 =	sadd.s32 s5, s6;
	[dreg:$0x0] =	wrdreg $0x0  }
0xa9: {  	s6 =	sshll.u32 s25, $0x1;
	[dreg:$0x2] =	wrdreg s5  }
0xaa: {  	[dreg:$0x3] =	wrdreg s6  }
0xab: {  	[dreg:$0x4] =	wrdreg $0xC0  }
0xac: {  	_ =	task [dreg:s9], $0x5FFFF  }
0xad: {  	[dreg:$0x1] =	wrdreg $0xFFFFFFFF  }
0xae: {  	[dreg:$0x0] =	wrdreg $0x60  }
0xaf: {  	[dreg:$0x2] =	wrdreg s0  }
0xb0: {  	[dreg:$0x3] =	wrdreg s17  }
0xb1: {  	[dreg:$0x4] =	wrdreg s2  }
0xb2: {  	[dreg:$0x5] =	wrdreg s3  }
0xb3: {  	[dreg:$0x6] =	wrdreg s4  }
0xb4: {  	[dreg:$0x7] =	wrdreg $0x9  }
0xb5: {  	_ =	task.clear_ibuf [dreg:s9], $0x8FFFF;
	_ =	strace $0x90000046  }
0xb6: {  	s26 =	simm.s32 $0x9;
	_ =	strace $0x80000048  }
0xb7: {  	_ =	swait.ge [sflag:s26], $0x1  }
0xb8: {  	[sflag:s26] =	ssyncadd.s32 $0xFFFFFFFF  }
0xb9: {  	_ =	strace $0x90000048  }
0xba: {  	_ =	sfence  }
0xbb: {  	s28 =	sld [smem:$0x0];
	_ =	sdelay $0x1  }
0xbc: {  	s29 =	srdreg.scid  }
0xbd: {  	s30 =	sshll.u32 s29, $0xD;
	s31 =	sshrl.u32 s29, $0x2  }
0xbe: {  	s1 =	sand.u32 $0x1, s29;
	s2 =	sand.u32 $0x4000, s30;
	s0 =	sadd.s32 s31, s28  }
0xbf: {  	s1 =	sor.u32 s2, s1;
	s0 =	sshll.u32 s0, $0x11  }
0xc0: {  	s0 =	sor.u32 s0, s1  }
0xc1: {  	s0 =	sadd.s32 $0x8F2B, s0  }
0xc2: {  	[sflag:s0] =	ssyncadd.remote.s32 $0x1  }
0xc3: {  	_ =	sfence.sel $0xFFFF  }
0xc4: {  	[dreg:$0x0] =	wrdreg $0xFFFFFFFF;
	(pc) =	sbr.abs _section_cstart, $3  }
0xc5: {  	[dreg:$0x1] =	wrdreg $0xFFFFFFFF  }
0xc6: {  	_ =	task.clear_ibuf [dreg:s9], $0x2FFFF;
	_ =	strace $0x9FFFFFFF  }
0xc7: {  	(tm) =	ssettm $0x7FFFFFFF  }
tec
execute0_lowered:
.L_overlay_start_1:
0x0: {  	(tag) =	ssettag $0x1  }
0x1: {  	s7 =	rddreg [dreg:$0x0]  }
0x2: {  	s8 =	rddreg [dreg:$0x1]  }
0x3: {  	s3 =	rddreg [dreg:$0x2]  }
0x4: {  	s4 =	rddreg [dreg:$0x3]  }
0x5: {  	s2 =	rddreg [dreg:$0x4]  }
0x6: {  	s0 =	rddreg [dreg:$0x5];
	s5 =	simm.s32 $0x0  }
0x7: {  	[smem:$0x7FF] =	sst s5  }
0x8: {  	s1 =	stileid.u32;
	s6 =	simm.s32 $0xC800;
	_ =	strace $0x80000047  }
0x9: {  	[tilespmem:s6], [sflag:$0x2] =	stream.linear.gather [hbm4b:s8+s5], $0xC800, $0x38;
	[tilespmem:$0x1F400] =	vst v63  }
0xa: {  	s28 =	smul.u32 $0x320, s1  }
0xb: {  	[tilespmem:s5], [sflag:$0x1] =	stream.linear.gather [hbm4b:s7+s5], $0xC800, $0x38;
	[tilespmem:$0x1F400] =	vst v63  }
0xc: {  	s9 =	sadd.s32 s3, s28;
	s7 =	simm.s32 $0x19000  }
0xd: {  	[tilespmem:s7], [sflag:$0x3] =	stream.linear.gather [hbm4b:s9+s5], $0x1900, $0x38;
	[tilespmem:$0x1F400] =	vst v63  }
0xe: {  	s30 =	simm.s32 $0x2;
	s29 =	sadd.s32 s4, s28;
	s8 =	simm.s32 $0x1A900  }
0xf: {  	[tilespmem:s8], [sflag:$0x3] =	stream.linear.gather [hbm4b:s29+s5], $0x1900, $0x38;
	[tilespmem:$0x1F400] =	vst v63  }
0x10: {  	_ =	swait.ge [sflag:s30], $0xC800  }
.Ltmp0:
0x11: {  	[sflag:s30] =	ssyncset.done $0x0;
	(pc) =	sbr.rel .LBB2_1-.Ltmp0, $4  }
0x12: {  	s31 =	simm.s32 $0x1;
	[sflag:s30] =	ssyncadd.s32 $0xFFFF3800  }
0x13: {  	_ =	swait.ge [sflag:s31], $0xC800  }
0x14: {  	s10 =	simm.s32 $0x4;
	[sflag:s31] =	ssyncset.done $0x0  }
0x15: {  	s11 =	simm.s32 $0x0;
	s9 =	simm.s32 $0x3;
	[sflag:s31] =	ssyncadd.s32 $0xFFFF3800  }
.LBB2_8:
0x16: {  	s11 =	sadd.s32 $0x1, s11  }
0x17: {  	p0 =	seq.s32 s11, $0x8  }
.Ltmp1:
0x18: {  	_ = 	snop;
	(pc) =	sbr.rel @p0 .LBB2_9-.Ltmp1, $1  }
0x19: {  	_ =	sdelay $0x3  }
.LBB2_1:
0x1a: {  	s12 =	sshll.u32 s11, $0x5  }
0x1b: {  	s12 =	sor.u32 s1, s12  }
0x1c: {  	s13 =	sor.u32 $0x10, s12  }
0x1d: {  	p0 =	sgt.u32 s13, $0xF9  }
0x1e: {  	s13 =	smul.u32 @!p0 $0x320, s13;
	_ =	sdelay $0x1  }
0x1f: {  	s15 =	simm.s32 @!p0 $0x0;
	s16 =	simm.s32 @!p0 $0x1C200;
	s14 =	sadd.s32 @!p0 s3, s13  }
0x20: {  	[tilespmem:s16], [sflag:$0x4] =	stream.linear.gather @!p0 [hbm4b:s14+s15], $0x1900, $0x38;
	[tilespmem:$0x1F400] =	vst v63  }
0x21: {  	s13 =	sadd.s32 @!p0 s4, s13;
	s14 =	simm.s32 @!p0 $0x1DB00  }
0x22: {  	[tilespmem:s14], [sflag:$0x4] =	stream.linear.gather @!p0 [hbm4b:s13+s15], $0x1900, $0x38;
	[tilespmem:$0x1F400] =	vst v63  }
0x23: {  	_ =	swait.ge [sflag:s9], $0x1900  }
0x24: {  	[sflag:s9] =	ssyncset.done $0x0  }
0x25: {  	[sflag:s9] =	ssyncadd.s32 $0xFFFFE700  }
0x26: {  	_ =	swait.ge [sflag:s9], $0x1900  }
0x27: {  	[sflag:s9] =	ssyncset.done $0x0  }
0x28: {  	s31 =	simm.s32 $0x1A980;
	[sflag:s9] =	ssyncadd.s32 $0xFFFFE700  }
0x29: {  	v0 =	vld [tilespmem:s31+$0x70]  }
0x2a: {  	v1 =	vld [tilespmem:s31+$0xFFFFFF90]  }
0x2b: {  	v2 =	vld [tilespmem:s31+$0xFFFFFFA0]  }
0x2c: {  	v3 =	vld [tilespmem:s31+$0xFFFFFFB0]  }
0x2d: {  	v4 =	vld [tilespmem:s31+$0xFFFFFFC0]  }
0x2e: {  	s13 =	simm.s32 $0x19080;
	v5 =	vld [tilespmem:s31+$0xFFFFFFD0]  }
0x2f: {  	v6 =	vld [tilespmem:s13+$0x70]  }
0x30: {  	v7 =	vld [tilespmem:s31+$0xFFFFFFE0]  }
0x31: {  	v8 =	vld [tilespmem:s31+$0xFFFFFFF0]  }
0x32: {  	v9 =	vld [tilespmem:s31+$0x0]  }
0x33: {  	v10 =	vld [tilespmem:s31+$0x10]  }
0x34: {  	v11 =	vld [tilespmem:s31+$0x20]  }
0x35: {  	v12 =	vld [tilespmem:s31+$0x30]  }
0x36: {  	v62 =	vld [tilespmem:s31+$0x40]  }
0x37: {  	v63 =	vld [tilespmem:s31+$0x50]  }
0x38: {  	v13 =	vld [tilespmem:s31+$0x60]  }
0x39: {  	v14 =	vld [tilespmem:s31+$0xFFFFFF80]  }
0x3a: {  	v15 =	vld [tilespmem:s13+$0xFFFFFF80]  }
0x3b: {  	v16 =	vld [tilespmem:s13+$0xFFFFFF90]  }
0x3c: {  	v17 =	vld [tilespmem:s13+$0xFFFFFFA0]  }
0x3d: {  	v18 =	vld [tilespmem:s13+$0xFFFFFFB0]  }
0x3e: {  	v19 =	vld [tilespmem:s13+$0xFFFFFFC0]  }
0x3f: {  	v20 =	vld [tilespmem:s13+$0xFFFFFFD0]  }
0x40: {  	v21 =	vld [tilespmem:s13+$0xFFFFFFE0]  }
0x41: {  	v22 =	vld [tilespmem:s13+$0xFFFFFFF0]  }
0x42: {  	v23 =	vld [tilespmem:s13+$0x0]  }
0x43: {  	v24 =	vld [tilespmem:s13+$0x10]  }
0x44: {  	v25 =	vld [tilespmem:s13+$0x20]  }
0x45: {  	v26 =	vld [tilespmem:s13+$0x30]  }
0x46: {  	v27 =	vld [tilespmem:s13+$0x40]  }
0x47: {  	v28 =	vld [tilespmem:s13+$0x50]  }
0x48: {  	v29 =	vld [tilespmem:s13+$0x60]  }
0x49: {  	v0 =	vld.idx.msk [tilespmem:v0+s5+$0x0], $0xffff  }
0x4a: {  	v1 =	vld.idx.msk [tilespmem:v1+s5+$0x0], $0xffff  }
0x4b: {  	v2 =	vld.idx.msk [tilespmem:v2+s5+$0x0], $0xffff  }
0x4c: {  	v3 =	vld.idx.msk [tilespmem:v3+s5+$0x0], $0xffff  }
0x4d: {  	v4 =	vld.idx.msk [tilespmem:v4+s5+$0x0], $0xffff  }
0x4e: {  	v5 =	vld.idx.msk [tilespmem:v5+s5+$0x0], $0xffff  }
0x4f: {  	v7 =	vld.idx.msk [tilespmem:v7+s5+$0x0], $0xffff  }
0x50: {  	v8 =	vld.idx.msk [tilespmem:v8+s5+$0x0], $0xffff  }
0x51: {  	v14 =	vld.idx.msk [tilespmem:v14+s5+$0x0], $0xffff  }
0x52: {  	v9 =	vld.idx.msk [tilespmem:v9+s5+$0x0], $0xffff  }
0x53: {  	v10 =	vld.idx.msk [tilespmem:v10+s5+$0x0], $0xffff  }
0x54: {  	v11 =	vld.idx.msk [tilespmem:v11+s5+$0x0], $0xffff  }
0x55: {  	v12 =	vld.idx.msk [tilespmem:v12+s5+$0x0], $0xffff  }
0x56: {  	v13 =	vld.idx.msk [tilespmem:v13+s5+$0x0], $0xffff  }
0x57: {  	[tilespmem:v6+s6+$0x0] =	vst.idx.add.f32.msk $0xffff, v0  }
0x58: {  	v0 =	vld.idx.msk [tilespmem:v62+s5+$0x0], $0xffff  }
0x59: {  	v6 =	vld.idx.msk [tilespmem:v63+s5+$0x0], $0xffff  }
0x5a: {  	[tilespmem:v15+s6+$0x0] =	vst.idx.add.f32.msk $0xffff, v14  }
0x5b: {  	[tilespmem:v16+s6+$0x0] =	vst.idx.add.f32.msk $0xffff, v1  }
0x5c: {  	[tilespmem:v17+s6+$0x0] =	vst.idx.add.f32.msk $0xffff, v2  }
0x5d: {  	[tilespmem:v18+s6+$0x0] =	vst.idx.add.f32.msk $0xffff, v3  }
0x5e: {  	[tilespmem:v19+s6+$0x0] =	vst.idx.add.f32.msk $0xffff, v4  }
0x5f: {  	[tilespmem:v20+s6+$0x0] =	vst.idx.add.f32.msk $0xffff, v5  }
0x60: {  	[tilespmem:v21+s6+$0x0] =	vst.idx.add.f32.msk $0xffff, v7  }
0x61: {  	[tilespmem:v22+s6+$0x0] =	vst.idx.add.f32.msk $0xffff, v8  }
0x62: {  	[tilespmem:v23+s6+$0x0] =	vst.idx.add.f32.msk $0xffff, v9  }
0x63: {  	[tilespmem:v24+s6+$0x0] =	vst.idx.add.f32.msk $0xffff, v10  }
0x64: {  	[tilespmem:v25+s6+$0x0] =	vst.idx.add.f32.msk $0xffff, v11  }
0x65: {  	[tilespmem:v26+s6+$0x0] =	vst.idx.add.f32.msk $0xffff, v12  }
0x66: {  	[tilespmem:v29+s6+$0x0] =	vst.idx.add.f32.msk $0xffff, v13  }
0x67: {  	[tilespmem:v27+s6+$0x0] =	vst.idx.add.f32.msk $0xffff, v0  }
0x68: {  	s14 =	simm.s32 $0x0;
	s15 =	simm.s32 $0x1AA80;
	[tilespmem:v28+s6+$0x0] =	vst.idx.add.f32.msk $0xffff, v6  }
.LBB2_2:
0x69: {  	v0 =	vld [tilespmem:s15+$0x70];
	s14 =	sadd.s32 $0x10, s14  }
0x6a: {  	v1 =	vld [tilespmem:s15+$0xFFFFFF90];
	p1 =	slt.u32 s14, $0x180  }
0x6b: {  	v2 =	vld [tilespmem:s15+$0xFFFFFFA0]  }
0x6c: {  	v3 =	vld [tilespmem:s15+$0xFFFFFFB0]  }
0x6d: {  	v4 =	vld [tilespmem:s15+$0xFFFFFFC0]  }
0x6e: {  	s13 =	sadd.s32 $0x100, s13;
	v5 =	vld [tilespmem:s15+$0xFFFFFFD0]  }
0x6f: {  	v6 =	vld [tilespmem:s13+$0x70]  }
0x70: {  	v7 =	vld [tilespmem:s15+$0xFFFFFFE0]  }
0x71: {  	v0 =	vld.idx.msk [tilespmem:v0+s5+$0x0], $0xffff  }
0x72: {  	v8 =	vld [tilespmem:s15+$0xFFFFFFF0]  }
0x73: {  	v9 =	vld [tilespmem:s15+$0x0]  }
0x74: {  	v10 =	vld [tilespmem:s15+$0x10]  }
0x75: {  	v11 =	vld [tilespmem:s15+$0x20]  }
0x76: {  	v12 =	vld [tilespmem:s15+$0x30]  }
0x77: {  	[tilespmem:v6+s6+$0x0] =	vst.idx.add.f32.msk $0xffff, v0  }
0x78: {  	v0 =	vld [tilespmem:s15+$0x40]  }
0x79: {  	v6 =	vld [tilespmem:s15+$0x50]  }
0x7a: {  	v13 =	vld [tilespmem:s15+$0x60]  }
0x7b: {  	v14 =	vld [tilespmem:s15+$0xFFFFFF80]  }
0x7c: {  	v1 =	vld.idx.msk [tilespmem:v1+s5+$0x0], $0xffff  }
0x7d: {  	v2 =	vld.idx.msk [tilespmem:v2+s5+$0x0], $0xffff  }
0x7e: {  	v3 =	vld.idx.msk [tilespmem:v3+s5+$0x0], $0xffff  }
0x7f: {  	v4 =	vld.idx.msk [tilespmem:v4+s5+$0x0], $0xffff  }
0x80: {  	v5 =	vld.idx.msk [tilespmem:v5+s5+$0x0], $0xffff  }
0x81: {  	v7 =	vld.idx.msk [tilespmem:v7+s5+$0x0], $0xffff  }
0x82: {  	v8 =	vld.idx.msk [tilespmem:v8+s5+$0x0], $0xffff  }
0x83: {  	v14 =	vld.idx.msk [tilespmem:v14+s5+$0x0], $0xffff  }
0x84: {  	v9 =	vld.idx.msk [tilespmem:v9+s5+$0x0], $0xffff  }
0x85: {  	v10 =	vld.idx.msk [tilespmem:v10+s5+$0x0], $0xffff  }
0x86: {  	v11 =	vld.idx.msk [tilespmem:v11+s5+$0x0], $0xffff  }
0x87: {  	v12 =	vld.idx.msk [tilespmem:v12+s5+$0x0], $0xffff  }
0x88: {  	v0 =	vld.idx.msk [tilespmem:v0+s5+$0x0], $0xffff  }
0x89: {  	v6 =	vld.idx.msk [tilespmem:v6+s5+$0x0], $0xffff  }
0x8a: {  	v13 =	vld.idx.msk [tilespmem:v13+s5+$0x0], $0xffff  }
0x8b: {  	v15 =	vld [tilespmem:s13+$0xFFFFFF80]  }
0x8c: {  	v16 =	vld [tilespmem:s13+$0xFFFFFF90]  }
0x8d: {  	v17 =	vld [tilespmem:s13+$0xFFFFFFA0]  }
0x8e: {  	v18 =	vld [tilespmem:s13+$0xFFFFFFB0]  }
0x8f: {  	v19 =	vld [tilespmem:s13+$0xFFFFFFC0]  }
0x90: {  	v20 =	vld [tilespmem:s13+$0xFFFFFFD0]  }
0x91: {  	v21 =	vld [tilespmem:s13+$0xFFFFFFE0]  }
0x92: {  	v22 =	vld [tilespmem:s13+$0xFFFFFFF0]  }
0x93: {  	v23 =	vld [tilespmem:s13+$0x0]  }
0x94: {  	v24 =	vld [tilespmem:s13+$0x10]  }
0x95: {  	v25 =	vld [tilespmem:s13+$0x20]  }
0x96: {  	v26 =	vld [tilespmem:s13+$0x30]  }
0x97: {  	v27 =	vld [tilespmem:s13+$0x40]  }
0x98: {  	v28 =	vld [tilespmem:s13+$0x50]  }
0x99: {  	v29 =	vld [tilespmem:s13+$0x60]  }
0x9a: {  	[tilespmem:v15+s6+$0x0] =	vst.idx.add.f32.msk $0xffff, v14  }
0x9b: {  	[tilespmem:v16+s6+$0x0] =	vst.idx.add.f32.msk $0xffff, v1  }
0x9c: {  	[tilespmem:v17+s6+$0x0] =	vst.idx.add.f32.msk $0xffff, v2  }
0x9d: {  	[tilespmem:v18+s6+$0x0] =	vst.idx.add.f32.msk $0xffff, v3  }
0x9e: {  	[tilespmem:v19+s6+$0x0] =	vst.idx.add.f32.msk $0xffff, v4  }
0x9f: {  	[tilespmem:v20+s6+$0x0] =	vst.idx.add.f32.msk $0xffff, v5  }
0xa0: {  	[tilespmem:v21+s6+$0x0] =	vst.idx.add.f32.msk $0xffff, v7  }
0xa1: {  	[tilespmem:v22+s6+$0x0] =	vst.idx.add.f32.msk $0xffff, v8  }
0xa2: {  	[tilespmem:v23+s6+$0x0] =	vst.idx.add.f32.msk $0xffff, v9  }
0xa3: {  	[tilespmem:v24+s6+$0x0] =	vst.idx.add.f32.msk $0xffff, v10  }
.Ltmp2:
0xa4: {  	[tilespmem:v25+s6+$0x0] =	vst.idx.add.f32.msk $0xffff, v11;
	(pc) =	sbr.rel @p1 .LBB2_2-.Ltmp2, $4  }
0xa5: {  	[tilespmem:v26+s6+$0x0] =	vst.idx.add.f32.msk $0xffff, v12  }
0xa6: {  	[tilespmem:v27+s6+$0x0] =	vst.idx.add.f32.msk $0xffff, v0  }
0xa7: {  	[tilespmem:v28+s6+$0x0] =	vst.idx.add.f32.msk $0xffff, v6  }
0xa8: {  	s15 =	sadd.s32 $0x100, s15;
	[tilespmem:v29+s6+$0x0] =	vst.idx.add.f32.msk $0xffff, v13  }
0xa9: {  	p1 =	sgt.u32 s12, $0xD9  }
.Ltmp3:
0xaa: {  	_ = 	snop;
	(pc) =	sbr.rel @p1 .LBB2_5-.Ltmp3, $1  }
0xab: {  	_ =	sdelay $0x3  }
0xac: {  	s12 =	smul.u32 $0x1900, s12;
	_ =	sdelay $0x1  }
0xad: {  	s12 =	sshrl.u32 s12, $0x3  }
.Ltmp4:
0xae: {  	s12 =	sadd.s32 $0x6400, s12;
	(pc) =	sbr.rel .LBB2_6-.Ltmp4, $4  }
0xaf: {  	s13 =	sadd.s32 s3, s12  }
0xb0: {  	[tilespmem:s7], [sflag:$0x3] =	stream.linear.gather [hbm4b:s13+s5], $0x1900, $0x38;
	[tilespmem:$0x1F400] =	vst v63  }
0xb1: {  	s12 =	sadd.s32 s4, s12  }
0xb2: {  	[tilespmem:s8], [sflag:$0x3] =	stream.linear.gather [hbm4b:s12+s5], $0x1900, $0x38;
	[tilespmem:$0x1F400] =	vst v63  }
.LBB2_5:
.Ltmp5:
0xb3: {  	(pc) =	sbr.rel @p0 .LBB2_8-.Ltmp5, $1  }
0xb4: {  	_ =	sdelay $0x3  }
.LBB2_6:
0xb5: {  	_ =	swait.ge [sflag:s10], $0x1900  }
0xb6: {  	[sflag:s10] =	ssyncset.done $0x0  }
0xb7: {  	[sflag:s10] =	ssyncadd.s32 $0xFFFFE700  }
0xb8: {  	_ =	swait.ge [sflag:s10], $0x1900  }
0xb9: {  	[sflag:s10] =	ssyncset.done $0x0  }
0xba: {  	s13 =	simm.s32 $0x1DB80;
	[sflag:s10] =	ssyncadd.s32 $0xFFFFE700  }
0xbb: {  	v0 =	vld [tilespmem:s13+$0x70]  }
0xbc: {  	v1 =	vld [tilespmem:s13+$0xFFFFFF90]  }
0xbd: {  	v2 =	vld [tilespmem:s13+$0xFFFFFFA0]  }
0xbe: {  	v3 =	vld [tilespmem:s13+$0xFFFFFFB0]  }
0xbf: {  	v4 =	vld [tilespmem:s13+$0xFFFFFFC0]  }
0xc0: {  	s12 =	simm.s32 $0x1C280;
	v5 =	vld [tilespmem:s13+$0xFFFFFFD0]  }
0xc1: {  	v6 =	vld [tilespmem:s12+$0x70]  }
0xc2: {  	v7 =	vld [tilespmem:s13+$0xFFFFFFE0]  }
0xc3: {  	v8 =	vld [tilespmem:s13+$0xFFFFFFF0]  }
0xc4: {  	v9 =	vld [tilespmem:s13+$0x0]  }
0xc5: {  	v10 =	vld [tilespmem:s13+$0x10]  }
0xc6: {  	v11 =	vld [tilespmem:s13+$0x20]  }
0xc7: {  	v12 =	vld [tilespmem:s13+$0x30]  }
0xc8: {  	v62 =	vld [tilespmem:s13+$0x40]  }
0xc9: {  	v63 =	vld [tilespmem:s13+$0x50]  }
0xca: {  	v13 =	vld [tilespmem:s13+$0x60]  }
0xcb: {  	v14 =	vld [tilespmem:s13+$0xFFFFFF80]  }
0xcc: {  	v15 =	vld [tilespmem:s12+$0xFFFFFF80]  }
0xcd: {  	v16 =	vld [tilespmem:s12+$0xFFFFFF90]  }
0xce: {  	v17 =	vld [tilespmem:s12+$0xFFFFFFA0]  }
0xcf: {  	v18 =	vld [tilespmem:s12+$0xFFFFFFB0]  }
0xd0: {  	v19 =	vld [tilespmem:s12+$0xFFFFFFC0]  }
0xd1: {  	v20 =	vld [tilespmem:s12+$0xFFFFFFD0]  }
0xd2: {  	v21 =	vld [tilespmem:s12+$0xFFFFFFE0]  }
0xd3: {  	v22 =	vld [tilespmem:s12+$0xFFFFFFF0]  }
0xd4: {  	v23 =	vld [tilespmem:s12+$0x0]  }
0xd5: {  	v24 =	vld [tilespmem:s12+$0x10]  }
0xd6: {  	v25 =	vld [tilespmem:s12+$0x20]  }
0xd7: {  	v26 =	vld [tilespmem:s12+$0x30]  }
0xd8: {  	v27 =	vld [tilespmem:s12+$0x40]  }
0xd9: {  	v28 =	vld [tilespmem:s12+$0x50]  }
0xda: {  	v29 =	vld [tilespmem:s12+$0x60]  }
0xdb: {  	v0 =	vld.idx.msk [tilespmem:v0+s5+$0x0], $0xffff  }
0xdc: {  	v1 =	vld.idx.msk [tilespmem:v1+s5+$0x0], $0xffff  }
0xdd: {  	v2 =	vld.idx.msk [tilespmem:v2+s5+$0x0], $0xffff  }
0xde: {  	v3 =	vld.idx.msk [tilespmem:v3+s5+$0x0], $0xffff  }
0xdf: {  	v4 =	vld.idx.msk [tilespmem:v4+s5+$0x0], $0xffff  }
0xe0: {  	v5 =	vld.idx.msk [tilespmem:v5+s5+$0x0], $0xffff  }
0xe1: {  	v7 =	vld.idx.msk [tilespmem:v7+s5+$0x0], $0xffff  }
0xe2: {  	v8 =	vld.idx.msk [tilespmem:v8+s5+$0x0], $0xffff  }
0xe3: {  	v14 =	vld.idx.msk [tilespmem:v14+s5+$0x0], $0xffff  }
0xe4: {  	v9 =	vld.idx.msk [tilespmem:v9+s5+$0x0], $0xffff  }
0xe5: {  	v10 =	vld.idx.msk [tilespmem:v10+s5+$0x0], $0xffff  }
0xe6: {  	v11 =	vld.idx.msk [tilespmem:v11+s5+$0x0], $0xffff  }
0xe7: {  	v12 =	vld.idx.msk [tilespmem:v12+s5+$0x0], $0xffff  }
0xe8: {  	v13 =	vld.idx.msk [tilespmem:v13+s5+$0x0], $0xffff  }
0xe9: {  	[tilespmem:v6+s6+$0x0] =	vst.idx.add.f32.msk $0xffff, v0  }
0xea: {  	v0 =	vld.idx.msk [tilespmem:v62+s5+$0x0], $0xffff  }
0xeb: {  	v6 =	vld.idx.msk [tilespmem:v63+s5+$0x0], $0xffff  }
0xec: {  	[tilespmem:v15+s6+$0x0] =	vst.idx.add.f32.msk $0xffff, v14  }
0xed: {  	[tilespmem:v16+s6+$0x0] =	vst.idx.add.f32.msk $0xffff, v1  }
0xee: {  	[tilespmem:v17+s6+$0x0] =	vst.idx.add.f32.msk $0xffff, v2  }
0xef: {  	[tilespmem:v18+s6+$0x0] =	vst.idx.add.f32.msk $0xffff, v3  }
0xf0: {  	[tilespmem:v19+s6+$0x0] =	vst.idx.add.f32.msk $0xffff, v4  }
0xf1: {  	[tilespmem:v20+s6+$0x0] =	vst.idx.add.f32.msk $0xffff, v5  }
0xf2: {  	[tilespmem:v21+s6+$0x0] =	vst.idx.add.f32.msk $0xffff, v7  }
0xf3: {  	[tilespmem:v22+s6+$0x0] =	vst.idx.add.f32.msk $0xffff, v8  }
0xf4: {  	[tilespmem:v23+s6+$0x0] =	vst.idx.add.f32.msk $0xffff, v9  }
0xf5: {  	[tilespmem:v24+s6+$0x0] =	vst.idx.add.f32.msk $0xffff, v10  }
0xf6: {  	[tilespmem:v25+s6+$0x0] =	vst.idx.add.f32.msk $0xffff, v11  }
0xf7: {  	[tilespmem:v26+s6+$0x0] =	vst.idx.add.f32.msk $0xffff, v12  }
0xf8: {  	[tilespmem:v29+s6+$0x0] =	vst.idx.add.f32.msk $0xffff, v13  }
0xf9: {  	[tilespmem:v27+s6+$0x0] =	vst.idx.add.f32.msk $0xffff, v0  }
0xfa: {  	s14 =	simm.s32 $0x1DC80;
	s13 =	simm.s32 $0x0;
	[tilespmem:v28+s6+$0x0] =	vst.idx.add.f32.msk $0xffff, v6  }
.LBB2_7:
0xfb: {  	v0 =	vld [tilespmem:s14+$0x70];
	s13 =	sadd.s32 $0x10, s13  }
0xfc: {  	v1 =	vld [tilespmem:s14+$0xFFFFFF90];
	p0 =	slt.u32 s13, $0x180  }
0xfd: {  	v2 =	vld [tilespmem:s14+$0xFFFFFFA0]  }
0xfe: {  	v3 =	vld [tilespmem:s14+$0xFFFFFFB0]  }
0xff: {  	v4 =	vld [tilespmem:s14+$0xFFFFFFC0]  }
0x100: {  	s12 =	sadd.s32 $0x100, s12;
	v5 =	vld [tilespmem:s14+$0xFFFFFFD0]  }
0x101: {  	v6 =	vld [tilespmem:s12+$0x70]  }
0x102: {  	v7 =	vld [tilespmem:s14+$0xFFFFFFE0]  }
0x103: {  	v0 =	vld.idx.msk [tilespmem:v0+s5+$0x0], $0xffff  }
0x104: {  	v8 =	vld [tilespmem:s14+$0xFFFFFFF0]  }
0x105: {  	v9 =	vld [tilespmem:s14+$0x0]  }
0x106: {  	v10 =	vld [tilespmem:s14+$0x10]  }
0x107: {  	v11 =	vld [tilespmem:s14+$0x20]  }
0x108: {  	v12 =	vld [tilespmem:s14+$0x30]  }
0x109: {  	[tilespmem:v6+s6+$0x0] =	vst.idx.add.f32.msk $0xffff, v0  }
0x10a: {  	v0 =	vld [tilespmem:s14+$0x40]  }
0x10b: {  	v6 =	vld [tilespmem:s14+$0x50]  }
0x10c: {  	v13 =	vld [tilespmem:s14+$0x60]  }
0x10d: {  	v14 =	vld [tilespmem:s14+$0xFFFFFF80]  }
0x10e: {  	v1 =	vld.idx.msk [tilespmem:v1+s5+$0x0], $0xffff  }
0x10f: {  	v2 =	vld.idx.msk [tilespmem:v2+s5+$0x0], $0xffff  }
0x110: {  	v3 =	vld.idx.msk [tilespmem:v3+s5+$0x0], $0xffff  }
0x111: {  	v4 =	vld.idx.msk [tilespmem:v4+s5+$0x0], $0xffff  }
0x112: {  	v5 =	vld.idx.msk [tilespmem:v5+s5+$0x0], $0xffff  }
0x113: {  	v7 =	vld.idx.msk [tilespmem:v7+s5+$0x0], $0xffff  }
0x114: {  	v8 =	vld.idx.msk [tilespmem:v8+s5+$0x0], $0xffff  }
0x115: {  	v14 =	vld.idx.msk [tilespmem:v14+s5+$0x0], $0xffff  }
0x116: {  	v9 =	vld.idx.msk [tilespmem:v9+s5+$0x0], $0xffff  }
0x117: {  	v10 =	vld.idx.msk [tilespmem:v10+s5+$0x0], $0xffff  }
0x118: {  	v11 =	vld.idx.msk [tilespmem:v11+s5+$0x0], $0xffff  }
0x119: {  	v12 =	vld.idx.msk [tilespmem:v12+s5+$0x0], $0xffff  }
0x11a: {  	v0 =	vld.idx.msk [tilespmem:v0+s5+$0x0], $0xffff  }
0x11b: {  	v6 =	vld.idx.msk [tilespmem:v6+s5+$0x0], $0xffff  }
0x11c: {  	v13 =	vld.idx.msk [tilespmem:v13+s5+$0x0], $0xffff  }
0x11d: {  	v15 =	vld [tilespmem:s12+$0xFFFFFF80]  }
0x11e: {  	v16 =	vld [tilespmem:s12+$0xFFFFFF90]  }
0x11f: {  	v17 =	vld [tilespmem:s12+$0xFFFFFFA0]  }
0x120: {  	v18 =	vld [tilespmem:s12+$0xFFFFFFB0]  }
0x121: {  	v19 =	vld [tilespmem:s12+$0xFFFFFFC0]  }
0x122: {  	v20 =	vld [tilespmem:s12+$0xFFFFFFD0]  }
0x123: {  	v21 =	vld [tilespmem:s12+$0xFFFFFFE0]  }
0x124: {  	v22 =	vld [tilespmem:s12+$0xFFFFFFF0]  }
0x125: {  	v23 =	vld [tilespmem:s12+$0x0]  }
0x126: {  	v24 =	vld [tilespmem:s12+$0x10]  }
0x127: {  	v25 =	vld [tilespmem:s12+$0x20]  }
0x128: {  	v26 =	vld [tilespmem:s12+$0x30]  }
0x129: {  	v27 =	vld [tilespmem:s12+$0x40]  }
0x12a: {  	v28 =	vld [tilespmem:s12+$0x50]  }
0x12b: {  	v29 =	vld [tilespmem:s12+$0x60]  }
0x12c: {  	[tilespmem:v15+s6+$0x0] =	vst.idx.add.f32.msk $0xffff, v14  }
0x12d: {  	[tilespmem:v16+s6+$0x0] =	vst.idx.add.f32.msk $0xffff, v1  }
0x12e: {  	[tilespmem:v17+s6+$0x0] =	vst.idx.add.f32.msk $0xffff, v2  }
0x12f: {  	[tilespmem:v18+s6+$0x0] =	vst.idx.add.f32.msk $0xffff, v3  }
0x130: {  	[tilespmem:v19+s6+$0x0] =	vst.idx.add.f32.msk $0xffff, v4  }
0x131: {  	[tilespmem:v20+s6+$0x0] =	vst.idx.add.f32.msk $0xffff, v5  }
0x132: {  	[tilespmem:v21+s6+$0x0] =	vst.idx.add.f32.msk $0xffff, v7  }
0x133: {  	[tilespmem:v22+s6+$0x0] =	vst.idx.add.f32.msk $0xffff, v8  }
0x134: {  	[tilespmem:v23+s6+$0x0] =	vst.idx.add.f32.msk $0xffff, v9  }
0x135: {  	[tilespmem:v24+s6+$0x0] =	vst.idx.add.f32.msk $0xffff, v10  }
.Ltmp6:
0x136: {  	[tilespmem:v25+s6+$0x0] =	vst.idx.add.f32.msk $0xffff, v11;
	(pc) =	sbr.rel @p0 .LBB2_7-.Ltmp6, $4  }
0x137: {  	[tilespmem:v26+s6+$0x0] =	vst.idx.add.f32.msk $0xffff, v12  }
0x138: {  	[tilespmem:v27+s6+$0x0] =	vst.idx.add.f32.msk $0xffff, v0  }
0x139: {  	[tilespmem:v28+s6+$0x0] =	vst.idx.add.f32.msk $0xffff, v6  }
0x13a: {  	s14 =	sadd.s32 $0x100, s14;
	[tilespmem:v29+s6+$0x0] =	vst.idx.add.f32.msk $0xffff, v13  }
.Ltmp7:
0x13b: {  	_ = 	snop;
	(pc) =	sbr.rel .LBB2_8-.Ltmp7, $1  }
0x13c: {  	_ =	sdelay $0x3  }
.LBB2_9:
0x13d: {  	s3 =	sshll.u32 s1, $0x8  }
0x13e: {  	s4 =	sshll.u32 s1, $0x4;
	s3 =	sand.u32 $0x800, s3  }
0x13f: {  	s4 =	sand.u32 $0x70, s4;
	s2 =	sadd.s32 s3, s2  }
0x140: {  	s6 =	simm.s32 $0x400;
	s5 =	simm.s32 $0x5;
	s2 =	sadd.s32 s4, s2  }
0x141: {  	s3 =	simm.s32 $0xC800;
	s4 =	simm.s32 $0x80;
	s7 =	sadd.s32 $0x0, s2  }
0x142: {  	[hbm4b:s7+s4] =	stream.strided.scatter [tilespmem:s3], [sflag:$0x5], $0x800, s6, s4, $0x38;
	[tilespmem:$0x1F400] =	vst v63  }
0x143: {  	_ =	swait.ge [sflag:s5], $0x800  }
0x144: {  	s7 =	simm.s32 $0x1000;
	[sflag:s5] =	ssyncset.done $0x0  }
.LBB2_10:
0x145: {  	s8 =	sadd.s32 s7, s2  }
0x146: {  	[sflag:s5] =	ssyncadd.s32 $0xFFFFF800;
	s3 =	sadd.s32 $0x800, s3;
	p0 =	sne.s32 s7, $0x18000  }
0x147: {  	[hbm4b:s8+s4] =	stream.strided.scatter [tilespmem:s3], [sflag:$0x5], $0x800, s6, s4, $0x38;
	[tilespmem:$0x1F400] =	vst v63  }
.Ltmp8:
0x148: {  	_ = 	snop;
	(pc) =	sbr.rel @p0 .LBB2_10-.Ltmp8, $4  }
0x149: {  	_ = 	snop  }
0x14a: {  	s7 =	sadd.s32 $0x1000, s7  }
0x14b: {  	_ =	swait.ge [sflag:s5], $0x800  }
0x14c: {  	[sflag:s5] =	ssyncset.done $0x0  }
0x14d: {  	[sflag:s5] =	ssyncadd.s32 $0xFFFFF800  }
0x14e: {  	_ =	sfence.sel $0x180000  }
0x14f: {  	[bflag:$0x0] =	sbarrier.arrive $0xFFFF  }
0x150: {  	p0 =	sne.s32 s1, $0x0;
	_ =	strace $0x90000047  }
0x151: {  	s0 =	sadd.s32 @!p0 $0x100000, s0;
	[bflag:$0x2] =	sbarrier.arrive $0xFFFF  }
0x152: {  	[sflag:s0] =	ssyncadd.tile.s32 @!p0 $0x1;
	_ =	shalt  }
.Lfunc_end2:
_tile_overlayer_lowered:
.L_overlay_start_2:
0x153: {  	(tag) =	ssettag $0x2  }
0x154: {  	s0 =	rddreg [dreg:$0x0];
	s2 =	stileid.u32  }
0x155: {  	s1 =	rddreg [dreg:$0x1];
	p0 =	sne.s32 s2, $0x0  }
0x156: {  	s3 =	rddreg [dreg:$0x2];
	[bflag:$0x3] =	sbarrier.arrive $0xFFFF;
	s2 =	simm.s32 @!p0 $0x1C05  }
0x157: {  	[timem:s3], [sflag:s2] =	dma.local @!p0 [hbm:s0], s1  }
0x158: {  	s0 =	simm.s32 @!p0 $0x5  }
0x159: {  	_ =	swait.ge @!p0 [sflag:s0], s1  }
0x15a: {  	s1 =	ssub.s32 @!p0 $0x0, s1;
	[sflag:s0] =	ssyncset.done @!p0 $0x0  }
0x15b: {  	[sflag:s0] =	ssyncadd.s32 @!p0 s1  }
0x15c: {  	[bflag:$0x3] =	sbarrier.arrive $0xFFFF  }
0x15d: {  	_ =	shalt  }

</sc_bundles>
